<compile_context>
chip_gen: v7x
topology: tpu7x:2x2x1
jax: 0.10.2.dev20260603
libtpu: 0.0.44.dev20260713+nightly
codegen_flags: <defaults>
</compile_context>

<pallas_src>
import functools

import jax
import jax.numpy as jnp
from jax import lax
from jax.experimental import pallas as pl
from jax.experimental.pallas import tpu as pltpu
from jax.experimental.pallas import tpu_sc as plsc

NROWS = 10000
NROWS_P = 10112
NNZ_R = 160000
NNZP = 163840
NCORES = 2
NSUB = 16
NW = NCORES * NSUB
CHUNK = 128
RB = 512


def _sc_mesh():
    return plsc.VectorSubcoreMesh(
        core_axis_name="c", subcore_axis_name="s",
        num_cores=NCORES, num_subcores=NSUB)


@functools.partial(jax.jit, static_argnames=("finp",))
def _sc_scatter(x, idx2, zrows, finp):
    ept = NNZP // NSUB
    nch = ept // CHUNK
    rpt = NROWS_P // NSUB

    @functools.partial(
        pl.kernel, mesh=_sc_mesh(),
        out_type=jax.ShapeDtypeStruct((2, NROWS_P, finp), jnp.float32),
        scratch_types=[
            pltpu.VMEM((CHUNK,), jnp.int32),
            pltpu.VMEM((CHUNK, finp), jnp.float32),
            pltpu.VMEM_SHARED((NROWS_P, finp), jnp.float32),
        ],
        compiler_params=pltpu.CompilerParams(use_tc_tiling_on_sc=False))
    def k(x_hbm, idx_hbm, z_hbm, out_hbm, idx_v, xbuf, table):
        cid = lax.axis_index("c")
        sid = lax.axis_index("s")
        pltpu.sync_copy(z_hbm.at[pl.ds(sid * rpt, rpt)],
                        table.at[pl.ds(sid * rpt, rpt)])
        plsc.subcore_barrier()

        def body(j, carry):
            base = sid * ept + j * CHUNK
            pltpu.sync_copy(idx_hbm.at[cid, pl.ds(base, CHUNK)], idx_v)
            pltpu.sync_copy(x_hbm.at[pl.ds(base, CHUNK)], xbuf)
            pltpu.sync_copy(xbuf, table.at[idx_v], add=True)
            return carry

        lax.fori_loop(0, nch, body, 0)
        plsc.subcore_barrier()
        pltpu.sync_copy(table.at[pl.ds(sid * rpt, rpt)],
                        out_hbm.at[cid, pl.ds(sid * rpt, rpt)])

    return k(x, idx2, zrows)


@functools.partial(jax.jit, static_argnames=("foutp",))
def _sc_gather(tr, tc, idx2, foutp):
    epw = NNZP // NW
    nch = epw // CHUNK

    @functools.partial(
        pl.kernel, mesh=_sc_mesh(),
        out_type=(jax.ShapeDtypeStruct((NNZP, foutp), jnp.float32),
                  jax.ShapeDtypeStruct((NNZP, foutp), jnp.float32)),
        scratch_types=[
            pltpu.VMEM((CHUNK,), jnp.int32),
            pltpu.VMEM((CHUNK,), jnp.int32),
            pltpu.VMEM((CHUNK, foutp), jnp.float32),
            pltpu.VMEM((CHUNK, foutp), jnp.float32),
            pltpu.SemaphoreType.DMA,
        ],
        compiler_params=pltpu.CompilerParams(use_tc_tiling_on_sc=False))
    def k(tr_hbm, tc_hbm, idx_hbm, gr_hbm, gc_hbm, ridx, cidx, rbuf, cbuf, sem):
        wid = lax.axis_index("s") * NCORES + lax.axis_index("c")

        def body(j, carry):
            b = wid * epw + j * CHUNK
            pltpu.sync_copy(idx_hbm.at[0, pl.ds(b, CHUNK)], ridx)
            pltpu.sync_copy(idx_hbm.at[1, pl.ds(b, CHUNK)], cidx)
            pltpu.async_copy(tr_hbm.at[ridx], rbuf, sem).wait()
            pltpu.async_copy(tc_hbm.at[cidx], cbuf, sem).wait()
            pltpu.sync_copy(rbuf, gr_hbm.at[pl.ds(b, CHUNK)])
            pltpu.sync_copy(cbuf, gc_hbm.at[pl.ds(b, CHUNK)])
            return carry

        lax.fori_loop(0, nch, body, 0)

    return k(tr, tc, idx2)


def _tc_tables(S_parts, wrc, wg, bvec, invc8, first, tparts):
    nparts = len(S_parts)
    ntab = len(tparts)

    def body(*refs):
        s_refs = refs[:nparts]
        wrc_ref, wg_ref, b_ref, inv_ref = refs[nparts:nparts + 4]
        tout = refs[nparts + 4:nparts + 4 + 2 * ntab]
        sr = jnp.concatenate([r[0] for r in s_refs], axis=1)
        sc = jnp.concatenate([r[1] for r in s_refs], axis=1)
        if first:
            invr = 1.0 / jnp.maximum(sr[:, 5:6], 1.0)
            invc = 1.0 / jnp.maximum(sc[:, 5:6], 1.0)
            inv_out = refs[nparts + 4 + 2 * ntab]
            inv_out[0] = jnp.broadcast_to(invr, (NROWS_P, 8))
            inv_out[1] = jnp.broadcast_to(invc, (NROWS_P, 8))
        else:
            invr = inv_ref[0][:, 0:1]
            invc = inv_ref[1][:, 0:1]
        gsum = jnp.sum(sr, axis=0, keepdims=True)
        gb = jnp.dot(gsum * (1.0 / NNZ_R), wg_ref[...],
                     preferred_element_type=jnp.float32) + b_ref[...]
        mask = lax.broadcasted_iota(jnp.int32, (NROWS_P, 1), 0) < NROWS
        tr = jnp.dot(sr * invr, wrc_ref[0], preferred_element_type=jnp.float32)
        tr = jnp.where(mask, tr + gb, 0.0)
        tc = jnp.dot(sc * invc, wrc_ref[1], preferred_element_type=jnp.float32)
        tc = jnp.where(mask, tc, 0.0)
        off = 0
        for p, w in enumerate(tparts):
            tout[p][...] = tr[:, off:off + w]
            tout[ntab + p][...] = tc[:, off:off + w]
            off += w

    out_shape = ([jax.ShapeDtypeStruct((NROWS_P, w), jnp.float32)
                  for w in tparts] * 2)
    if first:
        out_shape.append(jax.ShapeDtypeStruct((2, NROWS_P, 8), jnp.float32))
    res = pl.pallas_call(
        body, out_shape=out_shape,
        compiler_params=pltpu.CompilerParams(
            vmem_limit_bytes=100 * 1024 * 1024))(
        *S_parts, wrc, wg, bvec, invc8)
    tr_parts, tc_parts = res[:ntab], res[ntab:2 * ntab]
    if first:
        return tr_parts, tc_parts, res[-1]
    return tr_parts, tc_parts


def _tc_bigmm(x_parts, gr_parts, gc_parts, wx_parts, relu):
    foutp = wx_parts[0].shape[1]
    nparts = len(x_parts)
    ntab = len(gr_parts)

    def body(*refs):
        x_refs = refs[:nparts]
        g_refs = refs[nparts:nparts + 2 * ntab]
        w_refs = refs[nparts + 2 * ntab:nparts + 2 * ntab + nparts]
        o_ref = refs[-1]
        t = jnp.concatenate(
            [g_refs[p][...] + g_refs[ntab + p][...] for p in range(ntab)],
            axis=1)
        for xr, wr in zip(x_refs, w_refs):
            t = t + jnp.dot(xr[...], wr[...],
                            preferred_element_type=jnp.float32)
        if relu:
            t = jnp.maximum(t, 0.01 * t)
        o_ref[...] = t

    in_specs = (
        [pl.BlockSpec((RB, x.shape[1]), lambda i: (i, 0)) for x in x_parts]
        + [pl.BlockSpec((RB, g.shape[1]), lambda i: (i, 0))
           for g in list(gr_parts) + list(gc_parts)]
        + [pl.BlockSpec(w.shape, lambda i: (0, 0)) for w in wx_parts])
    return pl.pallas_call(
        body,
        grid=(NNZP // RB,),
        in_specs=in_specs,
        out_specs=pl.BlockSpec((RB, foutp), lambda i: (i, 0)),
        out_shape=jax.ShapeDtypeStruct((NNZP, foutp), jnp.float32),
    )(*x_parts, *gr_parts, *gc_parts, *wx_parts)


def _prep_w(W, b, F, fparts, foutp):
    out = W.shape[0]

    def padT(A, finp):
        return jnp.pad(A.T, ((0, finp - A.shape[1]), (0, foutp - out)))

    wx_full = W[:, 0:F]
    wx_parts, off = [], 0
    for fp_real, fp_pad in fparts:
        wx_parts.append(padT(wx_full[:, off:off + fp_real], fp_pad))
        off += fp_real
    wrc = jnp.stack([padT(W[:, F:2 * F], sum(p for _, p in fparts)),
                     padT(W[:, 2 * F:3 * F], sum(p for _, p in fparts))])
    wg = padT(W[:, 3 * F:4 * F], sum(p for _, p in fparts))
    bv = jnp.pad(b[None, :], ((0, 0), (0, foutp - out)))
    return wx_parts, wrc, wg, bv


def kernel(input, row_idx, col_idx,
           enc_W1, enc_b1, enc_W2, enc_b2, enc_W3, enc_b3,
           dec_W1, dec_b1, dec_W2, dec_b2, dec_W3, dec_b3):
    pad = NNZP - NNZ_R
    idx2 = jnp.stack([
        jnp.concatenate([row_idx, jnp.full((pad,), NROWS, jnp.int32)]),
        jnp.concatenate([col_idx, jnp.full((pad,), NROWS, jnp.int32)]),
    ])
    x1 = jnp.concatenate([input, jnp.ones((NNZ_R, 1), jnp.float32)], axis=1)
    x1 = jnp.pad(x1, ((0, pad), (0, 16 - 6)))
    zeros = {f: jnp.zeros((NROWS_P, f), jnp.float32) for f in (16, 160, 32)}
    inv_dummy = jnp.ones((2, NROWS_P, 8), jnp.float32)

    def gather_parts(tr_parts, tc_parts):
        gr_parts, gc_parts = [], []
        for trp, tcp in zip(tr_parts, tc_parts):
            gr, gc = _sc_gather(trp, tcp, idx2, trp.shape[1])
            gr_parts.append(gr)
            gc_parts.append(gc)
        return gr_parts, gc_parts

    def layer(x_parts, fparts, foutp, tparts, W, b, F, relu, first, invc8):
        wx_parts, wrc, wg, bv = _prep_w(W, b, F, fparts, foutp)
        S_parts = [_sc_scatter(x, idx2, zeros[x.shape[1]], x.shape[1])
                   for x in x_parts]
        if first:
            tr_p, tc_p, invc8 = _tc_tables(S_parts, wrc, wg, bv, inv_dummy,
                                           True, tparts)
        else:
            tr_p, tc_p = _tc_tables(S_parts, wrc, wg, bv, invc8, False, tparts)
        gr_p, gc_p = gather_parts(tr_p, tc_p)
        y = _tc_bigmm(x_parts, gr_p, gc_p, wx_parts, relu)
        return y, invc8

    T160 = [160]
    h, invc8 = layer([x1], [(5, 16)], 160, T160,
                     enc_W1, enc_b1, 5, True, True, None)
    h, _ = layer([h], [(150, 160)], 160, T160,
                 enc_W2, enc_b2, 150, True, False, invc8)
    enc, _ = layer([h], [(150, 160)], 32, [32],
                   enc_W3, enc_b3, 150, False, False, invc8)

    S = _sc_scatter(enc, idx2, zeros[32], 32)
    eye = jnp.broadcast_to(jnp.eye(32, dtype=jnp.float32), (2, 32, 32))
    tr_p, tc_p = _tc_tables([S], eye, jnp.zeros((32, 32), jnp.float32),
                            jnp.zeros((1, 32), jnp.float32), invc8,
                            False, [32])
    (emb_r,), (emb_c,) = gather_parts(tr_p, tc_p)

    h, _ = layer([emb_r, emb_c], [(32, 32), (32, 32)], 160, T160,
                 dec_W1, dec_b1, 64, True, False, invc8)
    h, _ = layer([h], [(150, 160)], 160, T160,
                 dec_W2, dec_b2, 150, True, False, invc8)
    y, _ = layer([h], [(150, 160)], 16, [16],
                 dec_W3, dec_b3, 150, False, False, invc8)
    return y[:NNZ_R, :5]

# --- scband reference (transcript-rebuilt; emitter-appended) ---
"""Pipeline reference for scband-factorized-autoencoder-25323127177927 (READ-ONLY COPY).

The authoritative reference and input builder live on the scoring server;
editing this copy changes nothing except your own understanding.
"""

import jax, jax.numpy as jnp
import numpy as np

N_ROWS = 10000
N_COLS = 10000
NNZ = 160000


def segment_mean(data, seg, num):
    s = jax.ops.segment_sum(data, seg, num_segments=num)
    c = jax.ops.segment_sum(jnp.ones((data.shape[0], 1), data.dtype), seg, num_segments=num)
    return s / jnp.maximum(c, 1.0)


def exch(x, row_idx, col_idx, W, b):
    # SparseExchangeable: concat [x, row_mean(x), col_mean(x), global_mean(x)] then Linear
    rm = segment_mean(x, row_idx, N_ROWS)[row_idx]
    cm = segment_mean(x, col_idx, N_COLS)[col_idx]
    bm = jnp.broadcast_to(jnp.mean(x, axis=0, keepdims=True), x.shape)
    stacked = jnp.concatenate([x, rm, cm, bm], axis=1)
    return stacked @ W.T + b


def setup_inputs(seed: int = 0):
    key = jax.random.key(seed)
    ks = jax.random.split(key, 12)

    def lin(k, out_f, in_f):
        k1, k2 = jax.random.split(k)
        lim = 1.0 / np.sqrt(in_f)
        W = jax.random.uniform(k1, (out_f, in_f), jnp.float32, -lim, lim)
        b = jax.random.uniform(k2, (out_f,), jnp.float32, -lim, lim)
        return W, b

    inp = {}
    inp["input"] = jax.random.normal(ks[0], (NNZ, 5), dtype=jnp.float32)
    inp["row_idx"] = jax.random.randint(ks[1], (NNZ,), 0, N_ROWS, dtype=jnp.int32)
    inp["col_idx"] = jax.random.randint(ks[2], (NNZ,), 0, N_COLS, dtype=jnp.int32)
    inp["enc_W1"], inp["enc_b1"] = lin(ks[3], 150, 4 * 5)
    inp["enc_W2"], inp["enc_b2"] = lin(ks[4], 150, 4 * 150)
    inp["enc_W3"], inp["enc_b3"] = lin(ks[5], 32, 4 * 150)
    inp["dec_W1"], inp["dec_b1"] = lin(ks[6], 150, 4 * 64)
    inp["dec_W2"], inp["dec_b2"] = lin(ks[7], 150, 4 * 150)
    inp["dec_W3"], inp["dec_b3"] = lin(ks[8], 5, 4 * 150)
    return inp


def reference(input, row_idx, col_idx,
              enc_W1, enc_b1, enc_W2, enc_b2, enc_W3, enc_b3,
              dec_W1, dec_b1, dec_W2, dec_b2, dec_W3, dec_b3):
    # eval mode: Dropout(p=0.5) is identity
    lrelu = lambda t: jax.nn.leaky_relu(t, 0.01)
    # encoder
    h = exch(input, row_idx, col_idx, enc_W1, enc_b1)
    h = lrelu(h)
    h = exch(h, row_idx, col_idx, enc_W2, enc_b2)
    h = lrelu(h)
    encoded = exch(h, row_idx, col_idx, enc_W3, enc_b3)
    # factorized pooling (keep_dims=False): per-row / per-col mean embeddings
    row_mean = segment_mean(encoded, row_idx, N_ROWS)
    col_mean = segment_mean(encoded, col_idx, N_COLS)
    emb = jnp.concatenate([row_mean[row_idx], col_mean[col_idx]], axis=1)
    # decoder (index_eval == index_train)
    h = exch(emb, row_idx, col_idx, dec_W1, dec_b1)
    h = lrelu(h)
    h = exch(h, row_idx, col_idx, dec_W2, dec_b2)
    h = lrelu(h)
    out = exch(h, row_idx, col_idx, dec_W3, dec_b3)
    return out

if __name__ == "__main__":
    import jax
    _d = setup_inputs()
    print(jax.jit(kernel)(*tuple(_d.values())))

</pallas_src>

<mosaic_0001>
#map = affine_map<(d0, d1) -> (0, 0)>
#map1 = affine_map<(d0, d1) -> (0, 0, 0)>
module attributes {stable_mosaic.version = 14 : i64} {
  func.func @k(%arg0: i32, %arg1: i32, %arg2: memref<163840x16xf32, #tpu.memory_space<hbm>>, %arg3: memref<2x163840xi32, #tpu.memory_space<hbm>>, %arg4: memref<10112x16xf32, #tpu.memory_space<hbm>>, %arg5: memref<2x10112x16xf32, #tpu.memory_space<hbm>>, %arg6: memref<128xi32, #tpu.memory_space<vmem>>, %arg7: memref<128x16xf32, #tpu.memory_space<vmem>>, %arg8: memref<10112x16xf32, #tpu.memory_space<vmem_shared>>) attributes {dimension_semantics = [#tpu.dimension_semantics<core_parallel>, #tpu.dimension_semantics<subcore_parallel>], iteration_bounds = array<i64: 2, 16>, scalar_prefetch = 0 : i64, scratch_operands = 3 : i64, tpu.core_type = #tpu.core_type<sc_vector_subcore>, window_params = [{transform_indices = #map}, {transform_indices = #map}, {transform_indices = #map}, {transform_indices = #map1}]} {
    %mul3A = arith.constant 632 : i32
    %mul3A_0 = arith.muli %arg1, %mul3A : i32
    %mul3A_1 = arith.constant 632 : i32
    %mul3A_2 = arith.muli %arg1, %mul3A_1 : i32
    "tpu.region"() ({
      %run_scoped3A = tpu.sem_alloc : memref<!tpu.dma_semaphore, #tpu.memory_space<semaphore_mem>>
      %dma_start3A = arith.constant 0 : i32
      %dma_start3A_13 = tpu.memref_slice %arg8[%mul3A_2, %dma_start3A] : memref<10112x16xf32, #tpu.memory_space<vmem_shared>> -> memref<632x16xf32, #tpu.memory_space<vmem_shared>>
      %dma_start3A_14 = arith.constant 0 : i32
      %dma_start3A_15 = tpu.memref_slice %arg4[%mul3A_0, %dma_start3A_14] : memref<10112x16xf32, #tpu.memory_space<hbm>> -> memref<632x16xf32, #tpu.memory_space<hbm>>
      tpu.enqueue_dma source(%dma_start3A_15 : memref<632x16xf32, #tpu.memory_space<hbm>>) target(%dma_start3A_13 : memref<632x16xf32, #tpu.memory_space<vmem_shared>>) target_semaphore(%run_scoped3A : memref<!tpu.dma_semaphore, #tpu.memory_space<semaphore_mem>>)
      %dma_wait3A = arith.constant 0 : i32
      %dma_wait3A_16 = tpu.memref_slice %arg8[%mul3A_2, %dma_wait3A] : memref<10112x16xf32, #tpu.memory_space<vmem_shared>> -> memref<632x16xf32, #tpu.memory_space<vmem_shared>>
      %dma_wait3A_17 = arith.constant 0 : i32
      %dma_wait3A_18 = tpu.memref_slice %arg4[%mul3A_0, %dma_wait3A_17] : memref<10112x16xf32, #tpu.memory_space<hbm>> -> memref<632x16xf32, #tpu.memory_space<hbm>>
      tpu.wait_dma2 semaphore(%run_scoped3A : memref<!tpu.dma_semaphore, #tpu.memory_space<semaphore_mem>>) src(%dma_wait3A_18 : memref<632x16xf32, #tpu.memory_space<hbm>>) dst(%dma_wait3A_16 : memref<632x16xf32, #tpu.memory_space<vmem_shared>>)
      tpu.yield
    }) : () -> ()
    %barrier3A = arith.constant 0 : index
    tpu.barrier barrier_id(%barrier3A)
    %scan3A = arith.constant 0 : i32
    %scan3A_3 = arith.constant 0 : i32
    %scan3A_4 = arith.constant 80 : i32
    %scan3A_5 = arith.addi %scan3A_3, %scan3A_4 : i32
    %scan3A_6 = arith.constant 1 : i32
    scf.for %scan3A_13 = %scan3A_3 to %scan3A_5 step %scan3A_6  : i32 {
      %mul3A_14 = arith.constant 10240 : i32
      %mul3A_15 = arith.muli %arg1, %mul3A_14 : i32
      %mul3A_16 = arith.constant 128 : i32
      %mul3A_17 = arith.muli %scan3A_13, %mul3A_16 : i32
      %add3A = arith.addi %mul3A_15, %mul3A_17 : i32
      "tpu.region"() ({
        %run_scoped3A = tpu.sem_alloc : memref<!tpu.dma_semaphore, #tpu.memory_space<semaphore_mem>>
        %dma_start3A = tpu.memref_slice %arg3[%arg0, %add3A] : memref<2x163840xi32, #tpu.memory_space<hbm>> -> memref<1x128xi32, #tpu.memory_space<hbm>>
        %dma_start3A_18 = tpu.memref_squeeze %dma_start3A : memref<1x128xi32, #tpu.memory_space<hbm>> -> memref<128xi32, #tpu.memory_space<hbm>>
        %dma_start3A_19 = tpu.memref_slice %arg3[%arg0, %add3A] : memref<2x163840xi32, #tpu.memory_space<hbm>> -> memref<1x128xi32, #tpu.memory_space<hbm>>
        %dma_start3A_20 = tpu.memref_squeeze %dma_start3A_19 : memref<1x128xi32, #tpu.memory_space<hbm>> -> memref<128xi32, #tpu.memory_space<hbm>>
        tpu.enqueue_dma source(%dma_start3A_20 : memref<128xi32, #tpu.memory_space<hbm>>) target(%arg6 : memref<128xi32, #tpu.memory_space<vmem>>) target_semaphore(%run_scoped3A : memref<!tpu.dma_semaphore, #tpu.memory_space<semaphore_mem>>)
        %dma_wait3A = tpu.memref_slice %arg3[%arg0, %add3A] : memref<2x163840xi32, #tpu.memory_space<hbm>> -> memref<1x128xi32, #tpu.memory_space<hbm>>
        %dma_wait3A_21 = tpu.memref_squeeze %dma_wait3A : memref<1x128xi32, #tpu.memory_space<hbm>> -> memref<128xi32, #tpu.memory_space<hbm>>
        %dma_wait3A_22 = tpu.memref_slice %arg3[%arg0, %add3A] : memref<2x163840xi32, #tpu.memory_space<hbm>> -> memref<1x128xi32, #tpu.memory_space<hbm>>
        %dma_wait3A_23 = tpu.memref_squeeze %dma_wait3A_22 : memref<1x128xi32, #tpu.memory_space<hbm>> -> memref<128xi32, #tpu.memory_space<hbm>>
        tpu.wait_dma2 semaphore(%run_scoped3A : memref<!tpu.dma_semaphore, #tpu.memory_space<semaphore_mem>>) src(%dma_wait3A_23 : memref<128xi32, #tpu.memory_space<hbm>>) dst(%arg6 : memref<128xi32, #tpu.memory_space<vmem>>)
        tpu.yield
      }) : () -> ()
      "tpu.region"() ({
        %run_scoped3A = tpu.sem_alloc : memref<!tpu.dma_semaphore, #tpu.memory_space<semaphore_mem>>
        %dma_start3A = arith.constant 0 : i32
        %dma_start3A_18 = tpu.memref_slice %arg2[%add3A, %dma_start3A] : memref<163840x16xf32, #tpu.memory_space<hbm>> -> memref<128x16xf32, #tpu.memory_space<hbm>>
        %dma_start3A_19 = arith.constant 0 : i32
        %dma_start3A_20 = tpu.memref_slice %arg2[%add3A, %dma_start3A_19] : memref<163840x16xf32, #tpu.memory_space<hbm>> -> memref<128x16xf32, #tpu.memory_space<hbm>>
        tpu.enqueue_dma source(%dma_start3A_20 : memref<128x16xf32, #tpu.memory_space<hbm>>) target(%arg7 : memref<128x16xf32, #tpu.memory_space<vmem>>) target_semaphore(%run_scoped3A : memref<!tpu.dma_semaphore, #tpu.memory_space<semaphore_mem>>)
        %dma_wait3A = arith.constant 0 : i32
        %dma_wait3A_21 = tpu.memref_slice %arg2[%add3A, %dma_wait3A] : memref<163840x16xf32, #tpu.memory_space<hbm>> -> memref<128x16xf32, #tpu.memory_space<hbm>>
        %dma_wait3A_22 = arith.constant 0 : i32
        %dma_wait3A_23 = tpu.memref_slice %arg2[%add3A, %dma_wait3A_22] : memref<163840x16xf32, #tpu.memory_space<hbm>> -> memref<128x16xf32, #tpu.memory_space<hbm>>
        tpu.wait_dma2 semaphore(%run_scoped3A : memref<!tpu.dma_semaphore, #tpu.memory_space<semaphore_mem>>) src(%dma_wait3A_23 : memref<128x16xf32, #tpu.memory_space<hbm>>) dst(%arg7 : memref<128x16xf32, #tpu.memory_space<vmem>>)
        tpu.yield
      }) : () -> ()
      "tpu.region"() ({
        %run_scoped3A = tpu.sem_alloc : memref<!tpu.dma_semaphore, #tpu.memory_space<semaphore_mem>>
        %dma_start3A = arith.constant 0 : i32
        %dma_start3A_18 = arith.constant 0 : i32
        %dma_start3A_19 = tpu.memref_slice %arg8[%dma_start3A, %dma_start3A_18] : memref<10112x16xf32, #tpu.memory_space<vmem_shared>> -> memref<10112x16xf32, #tpu.memory_space<vmem_shared>>
        tpu.enqueue_indirect_dma source(%arg7 : memref<128x16xf32, #tpu.memory_space<vmem>>) target(%dma_start3A_19 : memref<10112x16xf32, #tpu.memory_space<vmem_shared>>) offsets(%arg6 : memref<128xi32, #tpu.memory_space<vmem>>) semaphore(%run_scoped3A : memref<!tpu.dma_semaphore, #tpu.memory_space<semaphore_mem>>) {add = true}
        %dma_wait3A = arith.constant 0 : i32
        %dma_wait3A_20 = arith.constant 0 : i32
        %dma_wait3A_21 = tpu.memref_slice %arg8[%dma_wait3A, %dma_wait3A_20] : memref<10112x16xf32, #tpu.memory_space<vmem_shared>> -> memref<10112x16xf32, #tpu.memory_space<vmem_shared>>
        tpu.wait_indirect_dma semaphore(%run_scoped3A : memref<!tpu.dma_semaphore, #tpu.memory_space<semaphore_mem>>) src(%arg7 : memref<128x16xf32, #tpu.memory_space<vmem>>) dst(%dma_wait3A_21 : memref<10112x16xf32, #tpu.memory_space<vmem_shared>>)
        tpu.yield
      }) : () -> ()
    }
    %scan3A_7 = arith.constant 80 : i32
    %barrier3A_8 = arith.constant 0 : index
    tpu.barrier barrier_id(%barrier3A_8)
    %mul3A_9 = arith.constant 632 : i32
    %mul3A_10 = arith.muli %arg1, %mul3A_9 : i32
    %mul3A_11 = arith.constant 632 : i32
    %mul3A_12 = arith.muli %arg1, %mul3A_11 : i32
    "tpu.region"() ({
      %run_scoped3A = tpu.sem_alloc : memref<!tpu.dma_semaphore, #tpu.memory_space<semaphore_mem>>
      %dma_start3A = arith.constant 0 : i32
      %dma_start3A_13 = tpu.memref_slice %arg5[%arg0, %mul3A_12, %dma_start3A] : memref<2x10112x16xf32, #tpu.memory_space<hbm>> -> memref<1x632x16xf32, #tpu.memory_space<hbm>>
      %dma_start3A_14 = tpu.memref_squeeze %dma_start3A_13 : memref<1x632x16xf32, #tpu.memory_space<hbm>> -> memref<632x16xf32, #tpu.memory_space<hbm>>
      %dma_start3A_15 = arith.constant 0 : i32
      %dma_start3A_16 = tpu.memref_slice %arg8[%mul3A_10, %dma_start3A_15] : memref<10112x16xf32, #tpu.memory_space<vmem_shared>> -> memref<632x16xf32, #tpu.memory_space<vmem_shared>>
      tpu.enqueue_dma source(%dma_start3A_16 : memref<632x16xf32, #tpu.memory_space<vmem_shared>>) target(%dma_start3A_14 : memref<632x16xf32, #tpu.memory_space<hbm>>) target_semaphore(%run_scoped3A : memref<!tpu.dma_semaphore, #tpu.memory_space<semaphore_mem>>)
      %dma_wait3A = arith.constant 0 : i32
      %dma_wait3A_17 = tpu.memref_slice %arg5[%arg0, %mul3A_12, %dma_wait3A] : memref<2x10112x16xf32, #tpu.memory_space<hbm>> -> memref<1x632x16xf32, #tpu.memory_space<hbm>>
      %dma_wait3A_18 = tpu.memref_squeeze %dma_wait3A_17 : memref<1x632x16xf32, #tpu.memory_space<hbm>> -> memref<632x16xf32, #tpu.memory_space<hbm>>
      %dma_wait3A_19 = arith.constant 0 : i32
      %dma_wait3A_20 = tpu.memref_slice %arg8[%mul3A_10, %dma_wait3A_19] : memref<10112x16xf32, #tpu.memory_space<vmem_shared>> -> memref<632x16xf32, #tpu.memory_space<vmem_shared>>
      tpu.wait_dma2 semaphore(%run_scoped3A : memref<!tpu.dma_semaphore, #tpu.memory_space<semaphore_mem>>) src(%dma_wait3A_20 : memref<632x16xf32, #tpu.memory_space<vmem_shared>>) dst(%dma_wait3A_18 : memref<632x16xf32, #tpu.memory_space<hbm>>)
      tpu.yield
    }) : () -> ()
    return
  }
}

</mosaic_0001>

<sc_bundles>
// kernel: _sc_scatter.3.cloned.1.call-start
scs
__scs_entry_jumppad:
0x0: {  	(pc) =	sbr.rel $0x88, $3  }
0x1: {  	(tag) =	ssettag $0x0;
	lr =	simm.s32 $0x1  }
0x2: {  	[smem:$0x3F9E] =	sst lr;
	_ =	strace $0xD0000000  }
0x3: {  	_ = 	snop  }
0x4: {  	_ = 	snop  }
0x5: {  	_ = 	snop  }
0x6: {  	_ = 	snop  }
0x7: {  	_ = 	snop  }
__scs_overlays_trampoline_lowered:
0x8: {  	[smem:$0x3FAD] =	sst s0  }
0x9: {  	[smem:$0x3FAE] =	sst s1  }
0xa: {  	[smem:$0x3FAF] =	sst s2  }
0xb: {  	[smem:$0x3FB0] =	sst s3  }
0xc: {  	[smem:$0x3FB1] =	sst s4  }
0xd: {  	[smem:$0x3FB2] =	sst s5  }
0xe: {  	[smem:$0x3FB3] =	sst s6  }
0xf: {  	[smem:$0x3FB4] =	sst s7  }
0x10: {  	[smem:$0x3FB5] =	sst s8  }
0x11: {  	[smem:$0x3FB6] =	sst s9;
	s0 =	simm.s32 @!p0 $0x0  }
0x12: {  	s1 =	sld [smem:$0x3F9C];
	s0 =	simm.s32 @p0 $0x1  }
0x13: {  	[smem:$0x3FB7] =	sst s0;
	s0 =	simm.s32 @!p1 $0x0  }
0x14: {  	s2 =	sld [smem:$0x3F9B];
	s0 =	simm.s32 @p1 $0x1  }
0x15: {  	[smem:$0x3FB8] =	sst s0;
	s0 =	simm.s32 @!p2 $0x0  }
0x16: {  	s3 =	sld [smem:$0x3FDB];
	s0 =	simm.s32 @p2 $0x1  }
0x17: {  	s4 =	simm.s32 $0x1BF5;
	[smem:$0x3FBA] =	sst s0  }
0x18: {  	s0 =	sld [smem:$0x3F9D];
	_ =	swait.ge [sflag:s4], $0x0  }
0x19: {  	s7 =	sld [smem:$0x3F9E]  }
0x1a: {  	s8 =	sadd.s32 $0xFFFFE003, lr  }
0x1b: {  	s9 =	sadd.s32 $0xFFFFFEF7, lr;
	s5 =	simm.s32 $0xFFFFFFFF;
	p2 =	slt.u32 s8, $0xFFFFF086  }
0x1c: {  	p1 =	slt.u32 s9, $0xF7A;
	s5 =	simm.s32 @!p2 $0x0  }
0x1d: {  	s5 =	simm.s32 @p1 $0x1;
	p0 =	seq.s32 s7, s2  }
0x1e: {  	s7 =	smul.u32 @!p0 $0xF7A, s2;
	p2 =	seq.s32 @!p0 s5, $0x0  }
0x1f: {  	s9 =	smul.u32 $0xF7A, s1;
	s8 =	simm.s32 @!p0 $0x1BF5;
	p2 =	por !p2, p0  }
0x20: {  	[sflag:s8] =	ssyncset.s32 @!p0 $0xFFFFF086;
	s6 =	sadd.s32 @!p0 s3, s7;
	s7 =	simm.s32 @!p0 $0x108  }
0x21: {  	s3 =	sadd.s32 s3, s9;
	s6 =	sadd.s32 @!p0 $0x88, s6;
	s7 =	simm.s32 @p2 $0x1082  }
0x22: {  	[simem:s7], [sflag:s8] =	dma.local @!p0 [hbm:s6], $0xF7A  }
0x23: {  	s9 =	sor.u32 $0xD0000000, s2;
	s6 =	simm.s32 $0x108;
	_ =	swait.ge @!p0 [sflag:s8], $0x0  }
0x24: {  	s3 =	sadd.s32 $0x88, s3;
	s6 =	simm.s32 @!p1 $0x1082;
	[sflag:s4] =	ssyncset.s32 $0xFFFFF086  }
0x25: {  	[simem:s6], [sflag:s4] =	dma.local [hbm:s3], $0xF7A  }
0x26: {  	[smem:$0x3F9E] =	sst s1;
	(tag) =	ssettag s2;
	_ =	strace s9  }
0x27: {  	s1 =	sld [smem:$0x3FAE]  }
0x28: {  	s2 =	sld [smem:$0x3FAF]  }
0x29: {  	s4 =	sld [smem:$0x3FB1]  }
0x2a: {  	p0 =	seq.s32 s5, $0x0;
	s5 =	sld [smem:$0x3FB2]  }
0x2b: {  	s6 =	sld [smem:$0x3FB3]  }
0x2c: {  	s7 =	sld [smem:$0x3FB4]  }
0x2d: {  	s3 =	simm.s32 $0x108;
	s8 =	sld [smem:$0x3FB5]  }
0x2e: {  	s3 =	simm.s32 @!p0 $0x1082;
	s9 =	sld [smem:$0x3FB6]  }
0x2f: {  	lr =	sadd.s32 s0, s3;
	s0 =	sld [smem:$0x3FAD]  }
0x30: {  	s3 =	sld [smem:$0x3FB0]  }
0x31: {  	[smem:$0x3FB9] =	sst s10  }
0x32: {  	s10 =	sld [smem:$0x3FB7];
	_ =	sdelay $0x3  }
0x33: {  	p0 =	seq.s32 s10, $0x1;
	s10 =	sld [smem:$0x3FB9];
	_ =	sdelay $0x3  }
0x34: {  	[smem:$0x3FB9] =	sst s10  }
0x35: {  	s10 =	sld [smem:$0x3FB8];
	_ =	sdelay $0x3  }
0x36: {  	p1 =	seq.s32 s10, $0x1;
	s10 =	sld [smem:$0x3FB9];
	_ =	sdelay $0x3  }
0x37: {  	[smem:$0x3FB9] =	sst s10  }
0x38: {  	s10 =	sld [smem:$0x3FBA]  }
0x39: {  	_ = 	snop;
	(pc) =	sbr.ind lr, $3  }
0x3a: {  	_ = 	snop  }
0x3b: {  	_ = 	snop  }
0x3c: {  	p2 =	seq.s32 s10, $0x1;
	s10 =	sld [smem:$0x3FB9]  }
0x3d: {  	_ =	shalt  }
0x3e: {  	_ =	shalt  }
0x3f: {  	_ =	shalt  }
0x40: {  	_ =	shalt  }
0x41: {  	_ =	shalt  }
0x42: {  	_ =	shalt  }
0x43: {  	_ =	shalt  }
0x44: {  	_ =	shalt  }
0x45: {  	_ =	shalt  }
0x46: {  	_ =	shalt  }
0x47: {  	_ =	shalt  }
0x48: {  	_ =	shalt  }
0x49: {  	_ =	shalt  }
0x4a: {  	_ =	shalt  }
0x4b: {  	_ =	shalt  }
0x4c: {  	_ =	shalt  }
0x4d: {  	_ =	shalt  }
0x4e: {  	_ =	shalt  }
0x4f: {  	_ =	shalt  }
0x50: {  	_ =	shalt  }
0x51: {  	_ =	shalt  }
0x52: {  	_ =	shalt  }
0x53: {  	_ =	shalt  }
0x54: {  	_ =	shalt  }
0x55: {  	_ =	shalt  }
0x56: {  	_ =	shalt  }
0x57: {  	_ =	shalt  }
0x58: {  	_ =	shalt  }
0x59: {  	_ =	shalt  }
0x5a: {  	_ =	shalt  }
0x5b: {  	_ =	shalt  }
0x5c: {  	_ =	shalt  }
0x5d: {  	_ =	shalt  }
0x5e: {  	_ =	shalt  }
0x5f: {  	_ =	shalt  }
0x60: {  	_ =	shalt  }
0x61: {  	_ =	shalt  }
0x62: {  	_ =	shalt  }
0x63: {  	_ =	shalt  }
0x64: {  	_ =	shalt  }
0x65: {  	_ =	shalt  }
0x66: {  	_ =	shalt  }
0x67: {  	_ =	shalt  }
0x68: {  	_ =	shalt  }
0x69: {  	_ =	shalt  }
0x6a: {  	_ =	shalt  }
0x6b: {  	_ =	shalt  }
0x6c: {  	_ =	shalt  }
0x6d: {  	_ =	shalt  }
0x6e: {  	_ =	shalt  }
0x6f: {  	_ =	shalt  }
0x70: {  	_ =	shalt  }
0x71: {  	_ =	shalt  }
0x72: {  	_ =	shalt  }
0x73: {  	_ =	shalt  }
0x74: {  	_ =	shalt  }
0x75: {  	_ =	shalt  }
0x76: {  	_ =	shalt  }
0x77: {  	_ =	shalt  }
0x78: {  	_ =	shalt  }
0x79: {  	_ =	shalt  }
0x7a: {  	_ =	shalt  }
0x7b: {  	_ =	shalt  }
0x7c: {  	_ =	shalt  }
0x7d: {  	_ =	shalt  }
0x7e: {  	_ =	shalt  }
0x7f: {  	_ =	shalt  }
0x80: {  	_ =	shalt  }
0x81: {  	_ =	shalt  }
0x82: {  	_ =	shalt  }
0x83: {  	_ =	shalt  }
0x84: {  	_ =	shalt  }
0x85: {  	_ =	shalt  }
0x86: {  	_ =	shalt  }
0x87: {  	_ =	shalt  }
.Lfunc_end0:
.L_simem_size_0:
called_computation_lowered:
.L_overlay_start_0:
0x88: {  	s2 =	sld [smem:$0x3FD9]  }
0x89: {  	s3 =	sld [smem:$0x3FFE];
	_ =	sdelay $0x1  }
0x8a: {  	s1 =	srdreg.scid  }
0x8b: {  	s0 =	sand.u32 $0x1, s1  }
0x8c: {  	s17 =	sshll.u32 s0, $0xA;
	s2 =	sadd.s32 s3, s2  }
0x8d: {  	s2 =	sadd.s32 s2, s17  }
0x8e: {  	[smem:$0x3FC5] =	sst s2  }
0x8f: {  	_ = 	snop  }
0x90: {  	s2 =	sld [smem:$0x3FD0];
	(tm) =	ssettm $0x1  }
0x91: {  	s18 =	sld [smem:$0x3FFB];
	_ =	sdelay $0x3  }
0x92: {  	_ =	strace s18  }
0x93: {  	s3 =	sld [smem:$0x3FFC];
	_ =	sdelay $0x3  }
0x94: {  	_ =	strace s3  }
0x95: {  	s3 =	sld [smem:$0x3FFD];
	_ =	sdelay $0x3  }
0x96: {  	_ =	strace s3  }
0x97: {  	_ =	strace $0x8FFFFFFF  }
0x98: {  	s19 =	sld [smem:$0x3FDB];
	_ =	sdelay $0x1  }
0x99: {  	s4 =	simm.s32 $_scs_section_size  }
0x9a: {  	s5 =	simm.s32 $_size__tile_overlayer_lowered;
	s6 =	simm.s32 $_tile_overlayer_lowered  }
0x9b: {  	s22 =	simm.s32 $0x1BFF;
	s21 =	sshll.u32 s6, $0x1;
	s3 =	sadd.s32 s4, s19  }
0x9c: {  	s7 =	simm.s32 $0x0;
	s20 =	sshll.u32 s5, $0x1;
	s5 =	sadd.s32 s21, s3  }
0x9d: {  	[timem:s7], [sflag:s22] =	dma.local [hbm:s5], s20  }
0x9e: {  	_ =	swait.ge [sflag:s22], s20  }
0x9f: {  	s4 =	ssub.s32 $0x0, s20;
	[sflag:s22] =	ssyncset.done $0x0  }
0xa0: {  	[sflag:s22] =	ssyncadd.s32 s4;
	_ =	sdelay $0x1  }
0xa1: {  	s23 =	simm.s32 $0x1B8B  }
0xa2: {  	_ =	swait.ge [sflag:s23], $0x1  }
0xa3: {  	[sflag:s23] =	ssyncset.done $0x0  }
0xa4: {  	s25 =	simm.s32 $0x1B8E;
	s24 =	sld [smem:$0x3FFE];
	[sflag:s23] =	ssyncadd.s32 $0xFFFFFFFF  }
0xa5: {  	s26 =	simm.s32 $execute0_lowered;
	[smem:$0x3FD2] =	sst s25  }
0xa6: {  	s5 =	sshll.u32 s26, $0x1;
	_ =	strace $0x80000046;
	[dreg:$0x1] =	wrdreg $0xFFFFFFFF  }
0xa7: {  	s28 =	simm.s32 $_size_execute0_lowered;
	s3 =	sadd.s32 s3, s5;
	[dreg:$0x0] =	wrdreg $0x0  }
0xa8: {  	s5 =	sshll.u32 s28, $0x1;
	[dreg:$0x2] =	wrdreg s3  }
0xa9: {  	[dreg:$0x3] =	wrdreg s5  }
0xaa: {  	[dreg:$0x4] =	wrdreg $0xC0  }
0xab: {  	_ =	task [dreg:s7], $0x5FFFF  }
0xac: {  	[dreg:$0x1] =	wrdreg $0xFFFFFFFF  }
0xad: {  	[dreg:$0x0] =	wrdreg $0x60  }
0xae: {  	[dreg:$0x2] =	wrdreg s24  }
0xaf: {  	[dreg:$0x3] =	wrdreg s2  }
0xb0: {  	[dreg:$0x4] =	wrdreg $0x8800  }
0xb1: {  	[dreg:$0x5] =	wrdreg $0x9  }
0xb2: {  	_ =	task.clear_ibuf [dreg:s7], $0x6FFFF;
	_ =	strace $0x90000046  }
0xb3: {  	s29 =	simm.s32 $0x9;
	_ =	strace $0x80000048  }
0xb4: {  	_ =	swait.ge [sflag:s29], $0x1  }
0xb5: {  	[sflag:s29] =	ssyncadd.s32 $0xFFFFFFFF  }
0xb6: {  	_ =	strace $0x90000048  }
0xb7: {  	_ =	sfence  }
0xb8: {  	s30 =	sld [smem:$0x0];
	_ =	sdelay $0x2  }
0xb9: {  	s31 =	sshll.u32 s1, $0xD;
	s1 =	sshrl.u32 s1, $0x2  }
0xba: {  	s3 =	sand.u32 $0x4000, s31;
	s1 =	sadd.s32 s1, s30  }
0xbb: {  	s0 =	sor.u32 s3, s0;
	s1 =	sshll.u32 s1, $0x11  }
0xbc: {  	s0 =	sor.u32 s1, s0  }
0xbd: {  	s0 =	sadd.s32 $0x8F2B, s0  }
0xbe: {  	[sflag:s0] =	ssyncadd.remote.s32 $0x1  }
0xbf: {  	_ =	sfence.sel $0xFFFF  }
0xc0: {  	[dreg:$0x0] =	wrdreg $0xFFFFFFFF;
	(pc) =	sbr.abs _section_cstart, $3  }
0xc1: {  	[dreg:$0x1] =	wrdreg $0xFFFFFFFF  }
0xc2: {  	_ =	task.clear_ibuf [dreg:s7], $0x2FFFF;
	_ =	strace $0x9FFFFFFF  }
0xc3: {  	(tm) =	ssettm $0x7FFFFFFF  }
tec
execute0_lowered:
.L_overlay_start_1:
0x0: {  	(tag) =	ssettag $0x1  }
0x1: {  	s4 =	rddreg [dreg:$0x0]  }
0x2: {  	s0 =	stileid.u32;
	s6 =	rddreg [dreg:$0x1]  }
0x3: {  	s1 =	srdreg.scid;
	s2 =	rddreg [dreg:$0x2]  }
0x4: {  	s3 =	simm.s32 $0x0;
	s13 =	simm.s32 $0x0;
	s7 =	smul.u32 $0x2800, s0  }
0x5: {  	s5 =	sand.u32 $0x1, s1;
	s1 =	rddreg [dreg:$0x3];
	s9 =	smul.u32 $0x5000, s0  }
0x6: {  	[smem:$0x7FF] =	sst s3;
	s26 =	smul.u32 $0x2780, s0;
	s30 =	sshll.u32 s0, $0x6  }
0x7: {  	s8 =	smul.u32 $0x28000, s5;
	_ =	strace $0x80000047;
	s11 =	ssub.s32 $0x2, s5  }
0x8: {  	s5 =	smul.u32 $0x27800, s5;
	s9 =	sadd.s32 s9, s4;
	s10 =	sshrl.u32 s26, $0x3  }
0x9: {  	s28 =	sshrl.u32 s11, $0x1;
	s29 =	sadd.s32 s26, s2;
	s7 =	sadd.s32 s7, s8  }
0xa: {  	s5 =	sadd.s32 s26, s5;
	s8 =	sadd.s32 $0x280800, s9;
	s7 =	sshrl.u32 s7, $0x3  }
0xb: {  	s31 =	sshrl.u32 s5, $0x3;
	s5 =	sor.u32 $0x1C01, s30;
	s12 =	sadd.s32 s7, s4  }
0xc: {  	s4 =	sadd.s32 s10, s4;
	s7 =	ssub.s32 s11, s28;
	s6 =	sadd.s32 s6, s31  }
0xd: {  	s10 =	sshrl.u32 s29, $0x3;
	s11 =	simm.s32 $0x1;
	s4 =	sadd.s32 $0x800, s4  }
0xe: {  	s7 =	smax.u32 s7, $0x1;
	s9 =	sadd.s32 $0x5800, s12;
	s12 =	simm.s32 $0x80  }
.LBB2_1:
0xf: {  	[spmem:s10], [sflag:s5] =	dma.local [hbm:s4], $0x4F0  }
0x10: {  	_ =	swait.ge [sflag:s11], $0x4F0  }
0x11: {  	[sflag:s11] =	ssyncset.done $0x0  }
0x12: {  	[sflag:s11] =	ssyncadd.s32 $0xFFFFFB10  }
0x13: {  	s14 =	sadd.s32 $0x0, s9;
	[bflag:$0x0] =	sbarrier.arrive $0xFFFF  }
0x14: {  	[tilespmem:s3], [sflag:$0x1] =	stream.linear.gather [hbm4b:s14+s3], $0x80, $0x38;
	[tilespmem:$0x3000] =	vst v63  }
0x15: {  	_ =	swait.ge [sflag:s11], $0x80  }
0x16: {  	[sflag:s11] =	ssyncset.done $0x0  }
0x17: {  	[sflag:s11] =	ssyncadd.s32 $0xFFFFFF80  }
0x18: {  	[tilespmem:s12], [sflag:$0x1] =	stream.linear.gather [hbm4b:s8+s3], $0x800, $0x38;
	[tilespmem:$0x3000] =	vst v63  }
0x19: {  	_ =	swait.ge [sflag:s11], $0x800  }
0x1a: {  	[sflag:s11] =	ssyncset.done $0x0  }
0x1b: {  	[sflag:s11] =	ssyncadd.s32 $0xFFFFF800  }
0x1c: {  	[spmem:s2] =	stream.indirect.scatter.add.f32 [tilespmem:s12], [sflag:$0x1], $0x10, s3, s12, $0xb8;
	[tilespmem:$0x3000] =	vst v63  }
0x1d: {  	s15 =	simm.s32 $0x10;
	_ =	swait.ge [sflag:s11], $0x800  }
0x1e: {  	s16 =	simm.s32 $0x20;
	s14 =	sadd.s32 $0x100, s8;
	[sflag:s11] =	ssyncset.done $0x0  }
.LBB2_2:
0x1f: {  	s17 =	sadd.s32 s15, s9  }
0x20: {  	[sflag:s11] =	ssyncadd.s32 $0xFFFFF800;
	s15 =	smov.u32 s16;
	s18 =	sadd.s32 $0x10, s16  }
0x21: {  	[tilespmem:s3], [sflag:$0x1] =	stream.linear.gather [hbm4b:s17+s3], $0x80, $0x38;
	[tilespmem:$0x3000] =	vst v63  }
0x22: {  	p0 =	sne.s32 s16, $0x4F0;
	_ =	swait.ge [sflag:s11], $0x80  }
0x23: {  	[sflag:s11] =	ssyncset.done $0x0  }
0x24: {  	[sflag:s11] =	ssyncadd.s32 $0xFFFFFF80  }
0x25: {  	[tilespmem:s12], [sflag:$0x1] =	stream.linear.gather [hbm4b:s14+s3], $0x800, $0x38;
	[tilespmem:$0x3000] =	vst v63  }
0x26: {  	_ =	swait.ge [sflag:s11], $0x800  }
.Ltmp0:
0x27: {  	[sflag:s11] =	ssyncset.done $0x0;
	(pc) =	sbr.rel @p0 .LBB2_2-.Ltmp0, $4  }
0x28: {  	[sflag:s11] =	ssyncadd.s32 $0xFFFFF800  }
0x29: {  	[spmem:s2] =	stream.indirect.scatter.add.f32 [tilespmem:s12], [sflag:$0x1], $0x10, s3, s12, $0xb8;
	[tilespmem:$0x3000] =	vst v63  }
0x2a: {  	_ =	swait.ge [sflag:s11], $0x800  }
0x2b: {  	s16 =	smov.u32 s18;
	s14 =	sadd.s32 $0x100, s14;
	[sflag:s11] =	ssyncset.done $0x0  }
0x2c: {  	s15 =	sadd.s32 s15, s9;
	[sflag:s11] =	ssyncadd.s32 $0xFFFFF800  }
0x2d: {  	[tilespmem:s3], [sflag:$0x1] =	stream.linear.gather [hbm4b:s15+s3], $0x80, $0x38;
	[tilespmem:$0x3000] =	vst v63  }
0x2e: {  	_ =	swait.ge [sflag:s11], $0x80  }
0x2f: {  	[sflag:s11] =	ssyncset.done $0x0  }
0x30: {  	[sflag:s11] =	ssyncadd.s32 $0xFFFFFF80  }
0x31: {  	[tilespmem:s12], [sflag:$0x1] =	stream.linear.gather [hbm4b:s14+s3], $0x800, $0x38;
	[tilespmem:$0x3000] =	vst v63  }
0x32: {  	_ =	swait.ge [sflag:s11], $0x800  }
0x33: {  	[sflag:s11] =	ssyncset.done $0x0  }
0x34: {  	[sflag:s11] =	ssyncadd.s32 $0xFFFFF800  }
0x35: {  	[spmem:s2] =	stream.indirect.scatter.add.f32 [tilespmem:s12], [sflag:$0x1], $0x10, s3, s12, $0xb8;
	[tilespmem:$0x3000] =	vst v63  }
0x36: {  	_ =	swait.ge [sflag:s11], $0x800  }
0x37: {  	s13 =	sadd.s32 $0x1, s13;
	[sflag:s11] =	ssyncset.done $0x0  }
0x38: {  	p0 =	sne.s32 s13, s7;
	[sflag:s11] =	ssyncadd.s32 $0xFFFFF800  }
.Ltmp1:
0x39: {  	[bflag:$0x0] =	sbarrier.arrive $0xFFFF;
	(pc) =	sbr.rel @p0 .LBB2_1-.Ltmp1, $4  }
0x3a: {  	[hbm:s6], [sflag:s5] =	dma.local [spmem:s10], $0x4F0  }
0x3b: {  	_ =	swait.ge [sflag:s11], $0x4F0  }
0x3c: {  	[sflag:s11] =	ssyncset.done $0x0  }
0x3d: {  	[sflag:s11] =	ssyncadd.s32 $0xFFFFFB10  }
0x3e: {  	_ =	sfence.sel $0x180000  }
0x3f: {  	[bflag:$0x0] =	sbarrier.arrive $0xFFFF  }
0x40: {  	p0 =	sne.s32 s0, $0x0;
	_ =	strace $0x90000047  }
0x41: {  	s0 =	sadd.s32 @!p0 $0x100000, s1;
	[bflag:$0x2] =	sbarrier.arrive $0xFFFF  }
0x42: {  	[sflag:s0] =	ssyncadd.tile.s32 @!p0 $0x1;
	_ =	shalt  }
.Lfunc_end2:
_tile_overlayer_lowered:
.L_overlay_start_2:
0x43: {  	(tag) =	ssettag $0x2  }
0x44: {  	s0 =	rddreg [dreg:$0x0];
	s2 =	stileid.u32  }
0x45: {  	s1 =	rddreg [dreg:$0x1];
	p0 =	sne.s32 s2, $0x0  }
0x46: {  	s3 =	rddreg [dreg:$0x2];
	[bflag:$0x3] =	sbarrier.arrive $0xFFFF;
	s2 =	simm.s32 @!p0 $0x1C01  }
0x47: {  	[timem:s3], [sflag:s2] =	dma.local @!p0 [hbm:s0], s1  }
0x48: {  	s0 =	simm.s32 @!p0 $0x1  }
0x49: {  	_ =	swait.ge @!p0 [sflag:s0], s1  }
0x4a: {  	s1 =	ssub.s32 @!p0 $0x0, s1;
	[sflag:s0] =	ssyncset.done @!p0 $0x0  }
0x4b: {  	[sflag:s0] =	ssyncadd.s32 @!p0 s1  }
0x4c: {  	[bflag:$0x3] =	sbarrier.arrive $0xFFFF  }
0x4d: {  	_ =	shalt  }

</sc_bundles>
